<compile_context>
chip_gen: v7x
topology: tpu7x:2x2x1
jax: 0.10.2.dev20260603
libtpu: 0.0.44.dev20260713+nightly
codegen_flags: <defaults>
</compile_context>

<pallas_src>
import functools

import jax
import jax.numpy as jnp
from jax import lax
from jax.experimental import pallas as pl
from jax.experimental.pallas import tpu as pltpu
from jax.experimental.pallas import tpu_sc as plsc

N_NODES = 10000
N_EDGES = 320000
D = 128
N_GRAPHS = 64

NC, NS = 2, 16
NW = NC * NS
CHUNK = 80
DCH = 128
NPAD = 10240
EPAD = 327680
EW = EPAD // NW
ROWS_W = NPAD // NS
PAD_ROW = N_NODES + 8

_SC_MESH = plsc.VectorSubcoreMesh(core_axis_name="c", subcore_axis_name="s")


def _deg_body(dst_hbm, out_hbm, dst_v, ones_v, zero_v, acc_sh):
    c = lax.axis_index("c")
    s = lax.axis_index("s")
    wid = s * NC + c

    @pl.loop(0, DCH)
    def _(i):
        ones_v[i, :] = jnp.ones((16,), jnp.float32)
        zero_v[i, :] = jnp.zeros((16,), jnp.float32)

    @pl.loop(0, ROWS_W, step=DCH)
    def _(j):
        pltpu.sync_copy(zero_v, acc_sh.at[pl.ds(s * ROWS_W + j, DCH)])

    plsc.subcore_barrier()

    @pl.loop(0, EW, step=DCH)
    def _(k):
        pltpu.sync_copy(dst_hbm.at[pl.ds(wid * EW + k, DCH)], dst_v)
        pltpu.sync_copy(ones_v, acc_sh.at[dst_v], add=True)

    plsc.subcore_barrier()
    pltpu.sync_copy(acc_sh.at[pl.ds(s * ROWS_W, ROWS_W)],
                    out_hbm.at[c].at[pl.ds(s * ROWS_W, ROWS_W)])


@jax.jit
def _sc_degree(dst_p):
    kern = pl.kernel(
        _deg_body,
        out_type=jax.ShapeDtypeStruct((NC, NPAD, 16), jnp.float32),
        mesh=_SC_MESH,
        scratch_types=[
            pltpu.VMEM((DCH,), jnp.int32),
            pltpu.VMEM((DCH, 16), jnp.float32),
            pltpu.VMEM((DCH, 16), jnp.float32),
            pltpu.VMEM_SHARED((NPAD, 16), jnp.float32),
        ],
    )
    return kern(dst_p)


NCH = EW // CHUNK


def _agg_body(xs_hbm, ei_hbm, out_hbm, idx_v, rows, isems, gsems, ssems,
              acc_sh):
    c = lax.axis_index("c")
    s = lax.axis_index("s")

    r0 = rows[0]

    @pl.loop(0, CHUNK)
    def _(i):
        @pl.loop(0, D, step=16)
        def _(j):
            r0[i, pl.ds(j, 16)] = jnp.zeros((16,), jnp.float32)

    @pl.loop(0, ROWS_W, step=CHUNK)
    def _(j):
        pltpu.sync_copy(r0, acc_sh.at[pl.ds(s * ROWS_W + j, CHUNK)])

    plsc.subcore_barrier()

    gbase = (s * NC + c) * NCH
    t4 = NCH // 4

    def load_idx(ch, q):
        pltpu.async_copy(ei_hbm.at[gbase + ch], idx_v.at[q], isems[q])

    def wait_idx(q):
        pltpu.make_async_copy(ei_hbm.at[gbase], idx_v.at[q],
                              isems[q]).wait()

    def start_gather(q, r):
        pltpu.async_copy(xs_hbm.at[idx_v.at[q].at[0]], rows[r], gsems[r])

    def wait_gather(r):
        pltpu.make_async_copy(xs_hbm.at[idx_v.at[0].at[0]], rows[r],
                              gsems[r]).wait()

    def start_scatter(q, r):
        pltpu.async_copy(rows[r], acc_sh.at[idx_v.at[q].at[1]], ssems[r],
                         add=True)

    def wait_scatter(r):
        pltpu.make_async_copy(rows[r], acc_sh.at[idx_v.at[0].at[1]],
                              ssems[r]).wait()

    load_idx(0, 0)
    load_idx(1, 1)
    load_idx(2, 2)
    wait_idx(0)
    start_gather(0, 0)
    wait_idx(1)
    start_gather(1, 1)

    @pl.loop(0, t4)
    def _(t):
        for j in range(4):
            ch = t * 4 + j
            jp1, jp2, jp3 = (j + 1) % 4, (j + 2) % 4, (j + 3) % 4

            if j == 0:
                @pl.when(t > 0)
                def _():
                    wait_scatter(jp3)
            else:
                wait_scatter(jp3)

            if j == 0:
                load_idx(ch + 3, jp3)
            else:
                @pl.when(t < t4 - 1)
                def _():
                    load_idx(ch + 3, jp3)

            def step_g():
                wait_idx(jp2)
                start_gather(jp2, jp2)

            if j < 2:
                step_g()
            else:
                @pl.when(t < t4 - 1)
                def _():
                    step_g()

            wait_gather(j)
            start_scatter(j, j)

    wait_scatter(3)

    plsc.subcore_barrier()
    pltpu.sync_copy(acc_sh.at[pl.ds(s * ROWS_W, ROWS_W)],
                    out_hbm.at[c].at[pl.ds(s * ROWS_W, ROWS_W)])


@jax.jit
def _sc_aggregate(xs, ei2):
    kern = pl.kernel(
        _agg_body,
        out_type=jax.ShapeDtypeStruct((NC, NPAD, D), jnp.float32),
        mesh=_SC_MESH,
        scratch_types=[
            pltpu.VMEM((4, 2, CHUNK), jnp.int32),
            [pltpu.VMEM((CHUNK, D), jnp.float32) for _ in range(4)],
            [pltpu.SemaphoreType.DMA for _ in range(4)],
            [pltpu.SemaphoreType.DMA for _ in range(4)],
            [pltpu.SemaphoreType.DMA for _ in range(4)],
            pltpu.VMEM_SHARED((NPAD, D), jnp.float32),
        ],
    )
    return kern(xs, ei2)


_BLK = 1280
_NBLK = NPAD // _BLK


def _dinv_of(dega_blk, degb_blk):
    deg = dega_blk[:, 0:1] + degb_blk[:, 0:1] + 1.0
    return lax.rsqrt(deg)


def _tc1_body(x_ref, w_ref, dega_ref, degb_ref, xs_ref):
    xw = jnp.dot(x_ref[...], w_ref[...], preferred_element_type=jnp.float32)
    xs_ref[...] = _dinv_of(dega_ref[...], degb_ref[...]) * xw


@jax.jit
def _tc_xs1(x_p, W1, dega, degb):
    return pl.pallas_call(
        _tc1_body,
        grid=(_NBLK,),
        in_specs=[
            pl.BlockSpec((_BLK, D), lambda i: (i, 0)),
            pl.BlockSpec((D, D), lambda i: (0, 0)),
            pl.BlockSpec((_BLK, 16), lambda i: (i, 0)),
            pl.BlockSpec((_BLK, 16), lambda i: (i, 0)),
        ],
        out_specs=pl.BlockSpec((_BLK, D), lambda i: (i, 0)),
        out_shape=jax.ShapeDtypeStruct((NPAD, D), jnp.float32),
    )(x_p, W1, dega, degb)


def _tc2_body(agga_ref, aggb_ref, xs_ref, dega_ref, degb_ref, b_ref, w_ref,
              out_ref):
    dinv = _dinv_of(dega_ref[...], degb_ref[...])
    pre = dinv * (agga_ref[...] + aggb_ref[...] + xs_ref[...]) + b_ref[...]
    h = jnp.maximum(pre, 0.0)
    hw = jnp.dot(h, w_ref[...], preferred_element_type=jnp.float32)
    out_ref[...] = dinv * hw


@jax.jit
def _tc_xs2(agga, aggb, xs1, dega, degb, b1, W2):
    return pl.pallas_call(
        _tc2_body,
        grid=(_NBLK,),
        in_specs=[
            pl.BlockSpec((_BLK, D), lambda i: (i, 0)),
            pl.BlockSpec((_BLK, D), lambda i: (i, 0)),
            pl.BlockSpec((_BLK, D), lambda i: (i, 0)),
            pl.BlockSpec((_BLK, 16), lambda i: (i, 0)),
            pl.BlockSpec((_BLK, 16), lambda i: (i, 0)),
            pl.BlockSpec((1, D), lambda i: (0, 0)),
            pl.BlockSpec((D, D), lambda i: (0, 0)),
        ],
        out_specs=pl.BlockSpec((_BLK, D), lambda i: (i, 0)),
        out_shape=jax.ShapeDtypeStruct((NPAD, D), jnp.float32),
    )(agga, aggb, xs1, dega, degb, b1, W2)


def _tc3_body(agga_ref, aggb_ref, xs_ref, dega_ref, degb_ref, b_ref,
              batch_ref, wfc_ref, bfc_ref, out_ref, sums_ref, counts_ref):
    i = pl.program_id(0)

    @pl.when(i == 0)
    def _():
        sums_ref[...] = jnp.zeros_like(sums_ref)
        counts_ref[...] = jnp.zeros_like(counts_ref)

    dinv = _dinv_of(dega_ref[...], degb_ref[...])
    pre = dinv * (agga_ref[...] + aggb_ref[...] + xs_ref[...]) + b_ref[...]
    h = jnp.maximum(pre, 0.0)

    gids = lax.broadcasted_iota(jnp.int32, (_BLK, N_GRAPHS), 1)
    onehot = (batch_ref[...] == gids).astype(jnp.float32)
    dn = (((0,), (0,)), ((), ()))
    sums_ref[...] += lax.dot_general(onehot, h, dn,
                                     preferred_element_type=jnp.float32)
    counts_ref[...] += lax.dot_general(
        onehot, jnp.ones((_BLK, D), jnp.float32), dn,
        preferred_element_type=jnp.float32)

    @pl.when(i == _NBLK - 1)
    def _():
        pooled = sums_ref[...] / jnp.maximum(counts_ref[...], 1.0)
        o = jnp.dot(pooled, wfc_ref[...], preferred_element_type=jnp.float32)
        out_ref[...] = jnp.maximum(o + bfc_ref[...], 0.0)


@jax.jit
def _tc_pool(agga, aggb, xs2, dega, degb, b2, batch_col, Wfc, bfc):
    return pl.pallas_call(
        _tc3_body,
        grid=(_NBLK,),
        in_specs=[
            pl.BlockSpec((_BLK, D), lambda i: (i, 0)),
            pl.BlockSpec((_BLK, D), lambda i: (i, 0)),
            pl.BlockSpec((_BLK, D), lambda i: (i, 0)),
            pl.BlockSpec((_BLK, 16), lambda i: (i, 0)),
            pl.BlockSpec((_BLK, 16), lambda i: (i, 0)),
            pl.BlockSpec((1, D), lambda i: (0, 0)),
            pl.BlockSpec((_BLK, 1), lambda i: (i, 0)),
            pl.BlockSpec((D, D), lambda i: (0, 0)),
            pl.BlockSpec((1, D), lambda i: (0, 0)),
        ],
        out_specs=pl.BlockSpec((N_GRAPHS, D), lambda i: (0, 0)),
        out_shape=jax.ShapeDtypeStruct((N_GRAPHS, D), jnp.float32),
        scratch_shapes=[
            pltpu.VMEM((N_GRAPHS, D), jnp.float32),
            pltpu.VMEM((N_GRAPHS, D), jnp.float32),
        ],
    )(agga, aggb, xs2, dega, degb, b2, batch_col, Wfc, bfc)


def kernel(x, edge_index, batch, W1, b1, W2, b2, Wfc, bfc):
    src = edge_index[0].astype(jnp.int32)
    dst = edge_index[1].astype(jnp.int32)
    fill = jnp.full((EPAD - N_EDGES,), PAD_ROW, jnp.int32)
    src_p = jnp.concatenate([src, fill])
    dst_p = jnp.concatenate([dst, fill])
    ei2 = jnp.stack([src_p.reshape(EPAD // CHUNK, CHUNK),
                     dst_p.reshape(EPAD // CHUNK, CHUNK)], axis=1)
    x_p = jnp.pad(x, ((0, NPAD - N_NODES), (0, 0)))
    batch_col = jnp.pad(batch.astype(jnp.int32), (0, NPAD - N_NODES),
                        constant_values=N_GRAPHS).reshape(NPAD, 1)
    b1r = b1.reshape(1, D)
    b2r = b2.reshape(1, D)
    bfcr = bfc.reshape(1, D)

    deg = _sc_degree(dst_p)
    dega, degb = deg[0], deg[1]
    xs1 = _tc_xs1(x_p, W1, dega, degb)
    agg1 = _sc_aggregate(xs1, ei2)
    xs2 = _tc_xs2(agg1[0], agg1[1], xs1, dega, degb, b1r, W2)
    agg2 = _sc_aggregate(xs2, ei2)
    return _tc_pool(agg2[0], agg2[1], xs2, dega, degb, b2r, batch_col, Wfc, bfcr)

# --- scband reference (transcript-rebuilt; emitter-appended) ---
"""Pipeline reference for scband-gcn-26096221290966 (READ-ONLY COPY).

The authoritative reference and input builder live on the scoring server;
editing this copy changes nothing except your own understanding.
"""

import jax, jax.numpy as jnp
import numpy as np

N_NODES = 10000
N_EDGES = 320000
D_IN = 128
D_HID = 128
D_OUT = 128
N_GRAPHS = 64


def setup_inputs(seed: int = 0) -> dict:
    key = jax.random.key(seed)
    k1, k2, k3, k4, k5, k6, k7, k8, k9 = jax.random.split(key, 9)
    x = jax.random.normal(k1, (N_NODES, D_IN), dtype=jnp.float32)
    edge_index = jax.random.randint(k2, (2, N_EDGES), 0, N_NODES, dtype=jnp.int64)
    batch = jnp.sort(jax.random.randint(k3, (N_NODES,), 0, N_GRAPHS, dtype=jnp.int64))
    s1 = 1.0 / np.sqrt(D_IN)
    s2 = 1.0 / np.sqrt(D_HID)
    s3 = 1.0 / np.sqrt(D_OUT)
    W1 = jax.random.uniform(k4, (D_IN, D_HID), jnp.float32, -s1, s1)
    b1 = jax.random.uniform(k5, (D_HID,), jnp.float32, -s1, s1)
    W2 = jax.random.uniform(k6, (D_HID, D_OUT), jnp.float32, -s2, s2)
    b2 = jax.random.uniform(k7, (D_OUT,), jnp.float32, -s2, s2)
    Wfc = jax.random.uniform(k8, (D_OUT, D_OUT), jnp.float32, -s3, s3)
    bfc = jax.random.uniform(k9, (D_OUT,), jnp.float32, -s3, s3)
    return {"x": x, "edge_index": edge_index, "batch": batch,
            "W1": W1, "b1": b1, "W2": W2, "b2": b2, "Wfc": Wfc, "bfc": bfc}


def _gcn_conv(x, W, b, src, dst, n_nodes):
    # GCNConv (Kipf & Welling): add self-loops, symmetric normalization,
    # linear transform, sum aggregation from src -> dst.
    loop = jnp.arange(n_nodes, dtype=src.dtype)
    src_sl = jnp.concatenate([src, loop])
    dst_sl = jnp.concatenate([dst, loop])
    xw = x @ W
    deg = jnp.zeros((n_nodes,), dtype=x.dtype).at[dst_sl].add(1.0)
    dinv = jnp.where(deg > 0, deg ** -0.5, 0.0)
    norm = dinv[src_sl] * dinv[dst_sl]
    msgs = norm[:, None] * jnp.take(xw, src_sl, axis=0)
    out = jax.ops.segment_sum(msgs, dst_sl, num_segments=n_nodes)
    return out + b


def reference(x, edge_index, batch, W1, b1, W2, b2, Wfc, bfc):
    src = edge_index[0]
    dst = edge_index[1]
    h = _gcn_conv(x, W1, b1, src, dst, N_NODES)
    h = jax.nn.relu(h)
    h = _gcn_conv(h, W2, b2, src, dst, N_NODES)
    h = jax.nn.relu(h)
    # global_mean_pool over batch assignment
    sums = jax.ops.segment_sum(h, batch, num_segments=N_GRAPHS)
    counts = jax.ops.segment_sum(jnp.ones((N_NODES,), dtype=h.dtype), batch, num_segments=N_GRAPHS)
    pooled = sums / jnp.maximum(counts, 1.0)[:, None]
    out = pooled @ Wfc + bfc
    return jax.nn.relu(out)

if __name__ == "__main__":
    import jax
    _d = setup_inputs()
    print(jax.jit(kernel)(*tuple(_d.values())))

</pallas_src>

<mosaic_0001>
#map = affine_map<(d0, d1) -> (0)>
#map1 = affine_map<(d0, d1) -> (0, 0, 0)>
module attributes {stable_mosaic.version = 14 : i64} {
  func.func @_deg_body(%arg0: i32, %arg1: i32, %arg2: memref<327680xi32, #tpu.memory_space<hbm>>, %arg3: memref<2x10240x16xf32, #tpu.memory_space<hbm>>, %arg4: memref<128xi32, #tpu.memory_space<vmem>>, %arg5: memref<128x16xf32, #tpu.memory_space<vmem>>, %arg6: memref<128x16xf32, #tpu.memory_space<vmem>>, %arg7: memref<10240x16xf32, #tpu.memory_space<vmem_shared>>) attributes {dimension_semantics = [#tpu.dimension_semantics<core_parallel>, #tpu.dimension_semantics<subcore_parallel>], iteration_bounds = array<i64: 2, 16>, scalar_prefetch = 0 : i64, scratch_operands = 4 : i64, tpu.core_type = #tpu.core_type<sc_vector_subcore>, window_params = [{transform_indices = #map}, {transform_indices = #map1}]} {
    %mul3A = arith.constant 2 : i32
    %mul3A_0 = arith.muli %arg1, %mul3A : i32
    %add3A = arith.addi %mul3A_0, %arg0 : i32
    %scan3A = arith.constant 0 : i32
    %scan3A_1 = arith.constant 128 : i32
    %scan3A_2 = arith.addi %scan3A, %scan3A_1 : i32
    %scan3A_3 = arith.constant 1 : i32
    scf.for %scan3A_20 = %scan3A to %scan3A_2 step %scan3A_3  : i32 {
      %mul3A_21 = arith.constant 1 : i32
      %mul3A_22 = arith.muli %scan3A_20, %mul3A_21 : i32
      %add3A_23 = arith.constant 0 : i32
      %add3A_24 = arith.addi %add3A_23, %mul3A_22 : i32
      %broadcast_in_dim3A = arith.constant 1.000000e+00 : f32
      %broadcast_in_dim3A_25 = vector.broadcast %broadcast_in_dim3A : f32 to vector<16xf32>
      %swap3A = arith.index_cast %add3A_24 : i32 to index
      %swap3A_26 = arith.constant 0 : index
      %swap3A_27 = tpu.vector_load %arg5[%swap3A, %swap3A_26] {strides = array<i32>} : memref<128x16xf32, #tpu.memory_space<vmem>>, vector<1x16xf32>,
      %swap3A_28 = vector.shape_cast %swap3A_27 : vector<1x16xf32> to vector<16xf32>
      %swap3A_29 = vector.shape_cast %broadcast_in_dim3A_25 : vector<16xf32> to vector<1x16xf32>
      tpu.vector_store %arg5[%swap3A, %swap3A_26], %swap3A_29 {strides = array<i32>} : memref<128x16xf32, #tpu.memory_space<vmem>>, vector<1x16xf32>,
      %broadcast_in_dim3A_30 = arith.constant 0.000000e+00 : f32
      %broadcast_in_dim3A_31 = vector.broadcast %broadcast_in_dim3A_30 : f32 to vector<16xf32>
      %swap3A_32 = arith.index_cast %add3A_24 : i32 to index
      %swap3A_33 = arith.constant 0 : index
      %swap3A_34 = tpu.vector_load %arg6[%swap3A_32, %swap3A_33] {strides = array<i32>} : memref<128x16xf32, #tpu.memory_space<vmem>>, vector<1x16xf32>,
      %swap3A_35 = vector.shape_cast %swap3A_34 : vector<1x16xf32> to vector<16xf32>
      %swap3A_36 = vector.shape_cast %broadcast_in_dim3A_31 : vector<16xf32> to vector<1x16xf32>
      tpu.vector_store %arg6[%swap3A_32, %swap3A_33], %swap3A_36 {strides = array<i32>} : memref<128x16xf32, #tpu.memory_space<vmem>>, vector<1x16xf32>,
    }
    %scan3A_4 = arith.constant 128 : i32
    %scan3A_5 = arith.constant 0 : i32
    %scan3A_6 = arith.constant 5 : i32
    %scan3A_7 = arith.addi %scan3A_5, %scan3A_6 : i32
    %scan3A_8 = arith.constant 1 : i32
    scf.for %scan3A_20 = %scan3A_5 to %scan3A_7 step %scan3A_8  : i32 {
      %mul3A_21 = arith.constant 128 : i32
      %mul3A_22 = arith.muli %scan3A_20, %mul3A_21 : i32
      %add3A_23 = arith.constant 0 : i32
      %add3A_24 = arith.addi %add3A_23, %mul3A_22 : i32
      %mul3A_25 = arith.constant 640 : i32
      %mul3A_26 = arith.muli %arg1, %mul3A_25 : i32
      %add3A_27 = arith.addi %mul3A_26, %add3A_24 : i32
      "tpu.region"() ({
        %run_scoped3A = tpu.sem_alloc : memref<!tpu.dma_semaphore, #tpu.memory_space<semaphore_mem>>
        %dma_start3A = arith.constant 0 : i32
        %dma_start3A_28 = tpu.memref_slice %arg7[%add3A_27, %dma_start3A] : memref<10240x16xf32, #tpu.memory_space<vmem_shared>> -> memref<128x16xf32, #tpu.memory_space<vmem_shared>>
        %dma_start3A_29 = arith.constant 0 : i32
        %dma_start3A_30 = tpu.memref_slice %arg7[%add3A_27, %dma_start3A_29] : memref<10240x16xf32, #tpu.memory_space<vmem_shared>> -> memref<128x16xf32, #tpu.memory_space<vmem_shared>>
        tpu.enqueue_dma source(%arg6 : memref<128x16xf32, #tpu.memory_space<vmem>>) target(%dma_start3A_30 : memref<128x16xf32, #tpu.memory_space<vmem_shared>>) target_semaphore(%run_scoped3A : memref<!tpu.dma_semaphore, #tpu.memory_space<semaphore_mem>>)
        %dma_wait3A = arith.constant 0 : i32
        %dma_wait3A_31 = tpu.memref_slice %arg7[%add3A_27, %dma_wait3A] : memref<10240x16xf32, #tpu.memory_space<vmem_shared>> -> memref<128x16xf32, #tpu.memory_space<vmem_shared>>
        %dma_wait3A_32 = arith.constant 0 : i32
        %dma_wait3A_33 = tpu.memref_slice %arg7[%add3A_27, %dma_wait3A_32] : memref<10240x16xf32, #tpu.memory_space<vmem_shared>> -> memref<128x16xf32, #tpu.memory_space<vmem_shared>>
        tpu.wait_dma2 semaphore(%run_scoped3A : memref<!tpu.dma_semaphore, #tpu.memory_space<semaphore_mem>>) src(%arg6 : memref<128x16xf32, #tpu.memory_space<vmem>>) dst(%dma_wait3A_33 : memref<128x16xf32, #tpu.memory_space<vmem_shared>>)
        tpu.yield
      }) : () -> ()
    }
    %scan3A_9 = arith.constant 5 : i32
    %barrier3A = arith.constant 0 : index
    tpu.barrier barrier_id(%barrier3A)
    %scan3A_10 = arith.constant 0 : i32
    %scan3A_11 = arith.constant 80 : i32
    %scan3A_12 = arith.addi %scan3A_10, %scan3A_11 : i32
    %scan3A_13 = arith.constant 1 : i32
    scf.for %scan3A_20 = %scan3A_10 to %scan3A_12 step %scan3A_13  : i32 {
      %mul3A_21 = arith.constant 128 : i32
      %mul3A_22 = arith.muli %scan3A_20, %mul3A_21 : i32
      %add3A_23 = arith.constant 0 : i32
      %add3A_24 = arith.addi %add3A_23, %mul3A_22 : i32
      %mul3A_25 = arith.constant 10240 : i32
      %mul3A_26 = arith.muli %add3A, %mul3A_25 : i32
      %add3A_27 = arith.addi %mul3A_26, %add3A_24 : i32
      "tpu.region"() ({
        %run_scoped3A = tpu.sem_alloc : memref<!tpu.dma_semaphore, #tpu.memory_space<semaphore_mem>>
        %dma_start3A = tpu.memref_slice %arg2[%add3A_27] : memref<327680xi32, #tpu.memory_space<hbm>> -> memref<128xi32, #tpu.memory_space<hbm>>
        %dma_start3A_28 = tpu.memref_slice %arg2[%add3A_27] : memref<327680xi32, #tpu.memory_space<hbm>> -> memref<128xi32, #tpu.memory_space<hbm>>
        tpu.enqueue_dma source(%dma_start3A_28 : memref<128xi32, #tpu.memory_space<hbm>>) target(%arg4 : memref<128xi32, #tpu.memory_space<vmem>>) target_semaphore(%run_scoped3A : memref<!tpu.dma_semaphore, #tpu.memory_space<semaphore_mem>>)
        %dma_wait3A = tpu.memref_slice %arg2[%add3A_27] : memref<327680xi32, #tpu.memory_space<hbm>> -> memref<128xi32, #tpu.memory_space<hbm>>
        %dma_wait3A_29 = tpu.memref_slice %arg2[%add3A_27] : memref<327680xi32, #tpu.memory_space<hbm>> -> memref<128xi32, #tpu.memory_space<hbm>>
        tpu.wait_dma2 semaphore(%run_scoped3A : memref<!tpu.dma_semaphore, #tpu.memory_space<semaphore_mem>>) src(%dma_wait3A_29 : memref<128xi32, #tpu.memory_space<hbm>>) dst(%arg4 : memref<128xi32, #tpu.memory_space<vmem>>)
        tpu.yield
      }) : () -> ()
      "tpu.region"() ({
        %run_scoped3A = tpu.sem_alloc : memref<!tpu.dma_semaphore, #tpu.memory_space<semaphore_mem>>
        %dma_start3A = arith.constant 0 : i32
        %dma_start3A_28 = arith.constant 0 : i32
        %dma_start3A_29 = tpu.memref_slice %arg7[%dma_start3A, %dma_start3A_28] : memref<10240x16xf32, #tpu.memory_space<vmem_shared>> -> memref<10240x16xf32, #tpu.memory_space<vmem_shared>>
        tpu.enqueue_indirect_dma source(%arg5 : memref<128x16xf32, #tpu.memory_space<vmem>>) target(%dma_start3A_29 : memref<10240x16xf32, #tpu.memory_space<vmem_shared>>) offsets(%arg4 : memref<128xi32, #tpu.memory_space<vmem>>) semaphore(%run_scoped3A : memref<!tpu.dma_semaphore, #tpu.memory_space<semaphore_mem>>) {add = true}
        %dma_wait3A = arith.constant 0 : i32
        %dma_wait3A_30 = arith.constant 0 : i32
        %dma_wait3A_31 = tpu.memref_slice %arg7[%dma_wait3A, %dma_wait3A_30] : memref<10240x16xf32, #tpu.memory_space<vmem_shared>> -> memref<10240x16xf32, #tpu.memory_space<vmem_shared>>
        tpu.wait_indirect_dma semaphore(%run_scoped3A : memref<!tpu.dma_semaphore, #tpu.memory_space<semaphore_mem>>) src(%arg5 : memref<128x16xf32, #tpu.memory_space<vmem>>) dst(%dma_wait3A_31 : memref<10240x16xf32, #tpu.memory_space<vmem_shared>>)
        tpu.yield
      }) : () -> ()
    }
    %scan3A_14 = arith.constant 80 : i32
    %barrier3A_15 = arith.constant 0 : index
    tpu.barrier barrier_id(%barrier3A_15)
    %mul3A_16 = arith.constant 640 : i32
    %mul3A_17 = arith.muli %arg1, %mul3A_16 : i32
    %mul3A_18 = arith.constant 640 : i32
    %mul3A_19 = arith.muli %arg1, %mul3A_18 : i32
    "tpu.region"() ({
      %run_scoped3A = tpu.sem_alloc : memref<!tpu.dma_semaphore, #tpu.memory_space<semaphore_mem>>
      %dma_start3A = arith.constant 0 : i32
      %dma_start3A_20 = arith.constant 0 : i32
      %dma_start3A_21 = tpu.memref_slice %arg3[%arg0, %dma_start3A, %dma_start3A_20] : memref<2x10240x16xf32, #tpu.memory_space<hbm>> -> memref<1x10240x16xf32, #tpu.memory_space<hbm>>
      %dma_start3A_22 = tpu.memref_squeeze %dma_start3A_21 : memref<1x10240x16xf32, #tpu.memory_space<hbm>> -> memref<10240x16xf32, #tpu.memory_space<hbm>>
      %dma_start3A_23 = arith.constant 0 : i32
      %dma_start3A_24 = tpu.memref_slice %dma_start3A_22[%mul3A_19, %dma_start3A_23] : memref<10240x16xf32, #tpu.memory_space<hbm>> -> memref<640x16xf32, #tpu.memory_space<hbm>>
      %dma_start3A_25 = arith.constant 0 : i32
      %dma_start3A_26 = tpu.memref_slice %arg7[%mul3A_17, %dma_start3A_25] : memref<10240x16xf32, #tpu.memory_space<vmem_shared>> -> memref<640x16xf32, #tpu.memory_space<vmem_shared>>
      tpu.enqueue_dma source(%dma_start3A_26 : memref<640x16xf32, #tpu.memory_space<vmem_shared>>) target(%dma_start3A_24 : memref<640x16xf32, #tpu.memory_space<hbm>>) target_semaphore(%run_scoped3A : memref<!tpu.dma_semaphore, #tpu.memory_space<semaphore_mem>>)
      %dma_wait3A = arith.constant 0 : i32
      %dma_wait3A_27 = arith.constant 0 : i32
      %dma_wait3A_28 = tpu.memref_slice %arg3[%arg0, %dma_wait3A, %dma_wait3A_27] : memref<2x10240x16xf32, #tpu.memory_space<hbm>> -> memref<1x10240x16xf32, #tpu.memory_space<hbm>>
      %dma_wait3A_29 = tpu.memref_squeeze %dma_wait3A_28 : memref<1x10240x16xf32, #tpu.memory_space<hbm>> -> memref<10240x16xf32, #tpu.memory_space<hbm>>
      %dma_wait3A_30 = arith.constant 0 : i32
      %dma_wait3A_31 = tpu.memref_slice %dma_wait3A_29[%mul3A_19, %dma_wait3A_30] : memref<10240x16xf32, #tpu.memory_space<hbm>> -> memref<640x16xf32, #tpu.memory_space<hbm>>
      %dma_wait3A_32 = arith.constant 0 : i32
      %dma_wait3A_33 = tpu.memref_slice %arg7[%mul3A_17, %dma_wait3A_32] : memref<10240x16xf32, #tpu.memory_space<vmem_shared>> -> memref<640x16xf32, #tpu.memory_space<vmem_shared>>
      tpu.wait_dma2 semaphore(%run_scoped3A : memref<!tpu.dma_semaphore, #tpu.memory_space<semaphore_mem>>) src(%dma_wait3A_33 : memref<640x16xf32, #tpu.memory_space<vmem_shared>>) dst(%dma_wait3A_31 : memref<640x16xf32, #tpu.memory_space<hbm>>)
      tpu.yield
    }) : () -> ()
    return
  }
}

</mosaic_0001>

<sc_bundles>
// kernel: _sc_degree.3.cloned.1.call-start
scs
__scs_entry_jumppad:
0x0: {  	(pc) =	sbr.rel $0x88, $3  }
0x1: {  	(tag) =	ssettag $0x0;
	lr =	simm.s32 $0x1  }
0x2: {  	[smem:$0x3FA0] =	sst lr;
	_ =	strace $0xD0000000  }
0x3: {  	_ = 	snop  }
0x4: {  	_ = 	snop  }
0x5: {  	_ = 	snop  }
0x6: {  	_ = 	snop  }
0x7: {  	_ = 	snop  }
__scs_overlays_trampoline_lowered:
0x8: {  	[smem:$0x3FAF] =	sst s0  }
0x9: {  	[smem:$0x3FB0] =	sst s1  }
0xa: {  	[smem:$0x3FB1] =	sst s2  }
0xb: {  	[smem:$0x3FB2] =	sst s3  }
0xc: {  	[smem:$0x3FB3] =	sst s4  }
0xd: {  	[smem:$0x3FB4] =	sst s5  }
0xe: {  	[smem:$0x3FB5] =	sst s6  }
0xf: {  	[smem:$0x3FB6] =	sst s7  }
0x10: {  	[smem:$0x3FB7] =	sst s8  }
0x11: {  	[smem:$0x3FB8] =	sst s9;
	s0 =	simm.s32 @!p0 $0x0  }
0x12: {  	s1 =	sld [smem:$0x3F9E];
	s0 =	simm.s32 @p0 $0x1  }
0x13: {  	[smem:$0x3FB9] =	sst s0;
	s0 =	simm.s32 @!p1 $0x0  }
0x14: {  	s2 =	sld [smem:$0x3F9D];
	s0 =	simm.s32 @p1 $0x1  }
0x15: {  	[smem:$0x3FBA] =	sst s0;
	s0 =	simm.s32 @!p2 $0x0  }
0x16: {  	s3 =	sld [smem:$0x3FDB];
	s0 =	simm.s32 @p2 $0x1  }
0x17: {  	s4 =	simm.s32 $0x1BF5;
	[smem:$0x3FBC] =	sst s0  }
0x18: {  	s0 =	sld [smem:$0x3F9F];
	_ =	swait.ge [sflag:s4], $0x0  }
0x19: {  	s7 =	sld [smem:$0x3FA0]  }
0x1a: {  	s8 =	sadd.s32 $0xFFFFE003, lr  }
0x1b: {  	s9 =	sadd.s32 $0xFFFFFEF7, lr;
	s5 =	simm.s32 $0xFFFFFFFF;
	p2 =	slt.u32 s8, $0xFFFFF086  }
0x1c: {  	p1 =	slt.u32 s9, $0xF7A;
	s5 =	simm.s32 @!p2 $0x0  }
0x1d: {  	s5 =	simm.s32 @p1 $0x1;
	p0 =	seq.s32 s7, s2  }
0x1e: {  	s7 =	smul.u32 @!p0 $0xF7A, s2;
	p2 =	seq.s32 @!p0 s5, $0x0  }
0x1f: {  	s9 =	smul.u32 $0xF7A, s1;
	s8 =	simm.s32 @!p0 $0x1BF5;
	p2 =	por !p2, p0  }
0x20: {  	[sflag:s8] =	ssyncset.s32 @!p0 $0xFFFFF086;
	s6 =	sadd.s32 @!p0 s3, s7;
	s7 =	simm.s32 @!p0 $0x108  }
0x21: {  	s3 =	sadd.s32 s3, s9;
	s6 =	sadd.s32 @!p0 $0x88, s6;
	s7 =	simm.s32 @p2 $0x1082  }
0x22: {  	[simem:s7], [sflag:s8] =	dma.local @!p0 [hbm:s6], $0xF7A  }
0x23: {  	s9 =	sor.u32 $0xD0000000, s2;
	s6 =	simm.s32 $0x108;
	_ =	swait.ge @!p0 [sflag:s8], $0x0  }
0x24: {  	s3 =	sadd.s32 $0x88, s3;
	s6 =	simm.s32 @!p1 $0x1082;
	[sflag:s4] =	ssyncset.s32 $0xFFFFF086  }
0x25: {  	[simem:s6], [sflag:s4] =	dma.local [hbm:s3], $0xF7A  }
0x26: {  	[smem:$0x3FA0] =	sst s1;
	(tag) =	ssettag s2;
	_ =	strace s9  }
0x27: {  	s1 =	sld [smem:$0x3FB0]  }
0x28: {  	s2 =	sld [smem:$0x3FB1]  }
0x29: {  	s4 =	sld [smem:$0x3FB3]  }
0x2a: {  	p0 =	seq.s32 s5, $0x0;
	s5 =	sld [smem:$0x3FB4]  }
0x2b: {  	s6 =	sld [smem:$0x3FB5]  }
0x2c: {  	s7 =	sld [smem:$0x3FB6]  }
0x2d: {  	s3 =	simm.s32 $0x108;
	s8 =	sld [smem:$0x3FB7]  }
0x2e: {  	s3 =	simm.s32 @!p0 $0x1082;
	s9 =	sld [smem:$0x3FB8]  }
0x2f: {  	lr =	sadd.s32 s0, s3;
	s0 =	sld [smem:$0x3FAF]  }
0x30: {  	s3 =	sld [smem:$0x3FB2]  }
0x31: {  	[smem:$0x3FBB] =	sst s10  }
0x32: {  	s10 =	sld [smem:$0x3FB9];
	_ =	sdelay $0x3  }
0x33: {  	p0 =	seq.s32 s10, $0x1;
	s10 =	sld [smem:$0x3FBB];
	_ =	sdelay $0x3  }
0x34: {  	[smem:$0x3FBB] =	sst s10  }
0x35: {  	s10 =	sld [smem:$0x3FBA];
	_ =	sdelay $0x3  }
0x36: {  	p1 =	seq.s32 s10, $0x1;
	s10 =	sld [smem:$0x3FBB];
	_ =	sdelay $0x3  }
0x37: {  	[smem:$0x3FBB] =	sst s10  }
0x38: {  	s10 =	sld [smem:$0x3FBC]  }
0x39: {  	_ = 	snop;
	(pc) =	sbr.ind lr, $3  }
0x3a: {  	_ = 	snop  }
0x3b: {  	_ = 	snop  }
0x3c: {  	p2 =	seq.s32 s10, $0x1;
	s10 =	sld [smem:$0x3FBB]  }
0x3d: {  	_ =	shalt  }
0x3e: {  	_ =	shalt  }
0x3f: {  	_ =	shalt  }
0x40: {  	_ =	shalt  }
0x41: {  	_ =	shalt  }
0x42: {  	_ =	shalt  }
0x43: {  	_ =	shalt  }
0x44: {  	_ =	shalt  }
0x45: {  	_ =	shalt  }
0x46: {  	_ =	shalt  }
0x47: {  	_ =	shalt  }
0x48: {  	_ =	shalt  }
0x49: {  	_ =	shalt  }
0x4a: {  	_ =	shalt  }
0x4b: {  	_ =	shalt  }
0x4c: {  	_ =	shalt  }
0x4d: {  	_ =	shalt  }
0x4e: {  	_ =	shalt  }
0x4f: {  	_ =	shalt  }
0x50: {  	_ =	shalt  }
0x51: {  	_ =	shalt  }
0x52: {  	_ =	shalt  }
0x53: {  	_ =	shalt  }
0x54: {  	_ =	shalt  }
0x55: {  	_ =	shalt  }
0x56: {  	_ =	shalt  }
0x57: {  	_ =	shalt  }
0x58: {  	_ =	shalt  }
0x59: {  	_ =	shalt  }
0x5a: {  	_ =	shalt  }
0x5b: {  	_ =	shalt  }
0x5c: {  	_ =	shalt  }
0x5d: {  	_ =	shalt  }
0x5e: {  	_ =	shalt  }
0x5f: {  	_ =	shalt  }
0x60: {  	_ =	shalt  }
0x61: {  	_ =	shalt  }
0x62: {  	_ =	shalt  }
0x63: {  	_ =	shalt  }
0x64: {  	_ =	shalt  }
0x65: {  	_ =	shalt  }
0x66: {  	_ =	shalt  }
0x67: {  	_ =	shalt  }
0x68: {  	_ =	shalt  }
0x69: {  	_ =	shalt  }
0x6a: {  	_ =	shalt  }
0x6b: {  	_ =	shalt  }
0x6c: {  	_ =	shalt  }
0x6d: {  	_ =	shalt  }
0x6e: {  	_ =	shalt  }
0x6f: {  	_ =	shalt  }
0x70: {  	_ =	shalt  }
0x71: {  	_ =	shalt  }
0x72: {  	_ =	shalt  }
0x73: {  	_ =	shalt  }
0x74: {  	_ =	shalt  }
0x75: {  	_ =	shalt  }
0x76: {  	_ =	shalt  }
0x77: {  	_ =	shalt  }
0x78: {  	_ =	shalt  }
0x79: {  	_ =	shalt  }
0x7a: {  	_ =	shalt  }
0x7b: {  	_ =	shalt  }
0x7c: {  	_ =	shalt  }
0x7d: {  	_ =	shalt  }
0x7e: {  	_ =	shalt  }
0x7f: {  	_ =	shalt  }
0x80: {  	_ =	shalt  }
0x81: {  	_ =	shalt  }
0x82: {  	_ =	shalt  }
0x83: {  	_ =	shalt  }
0x84: {  	_ =	shalt  }
0x85: {  	_ =	shalt  }
0x86: {  	_ =	shalt  }
0x87: {  	_ =	shalt  }
.Lfunc_end0:
.L_simem_size_0:
called_computation_lowered:
.L_overlay_start_0:
0x88: {  	s2 =	sld [smem:$0x3FD9]  }
0x89: {  	s3 =	sld [smem:$0x3FFE];
	_ =	sdelay $0x1  }
0x8a: {  	s1 =	srdreg.scid  }
0x8b: {  	s0 =	sand.u32 $0x1, s1  }
0x8c: {  	s17 =	sshll.u32 s0, $0xA;
	s2 =	sadd.s32 s3, s2  }
0x8d: {  	s2 =	sadd.s32 s2, s17  }
0x8e: {  	[smem:$0x3FC7] =	sst s2  }
0x8f: {  	_ = 	snop  }
0x90: {  	s2 =	sld [smem:$0x3FC9];
	(tm) =	ssettm $0x1  }
0x91: {  	s18 =	sld [smem:$0x3FFB];
	_ =	sdelay $0x3  }
0x92: {  	_ =	strace s18  }
0x93: {  	s3 =	sld [smem:$0x3FFC];
	_ =	sdelay $0x3  }
0x94: {  	_ =	strace s3  }
0x95: {  	s3 =	sld [smem:$0x3FFD];
	_ =	sdelay $0x3  }
0x96: {  	_ =	strace s3  }
0x97: {  	_ =	strace $0x8FFFFFFF  }
0x98: {  	s19 =	sld [smem:$0x3FDB];
	_ =	sdelay $0x1  }
0x99: {  	s4 =	simm.s32 $_scs_section_size  }
0x9a: {  	s5 =	simm.s32 $_size__tile_overlayer_lowered;
	s6 =	simm.s32 $_tile_overlayer_lowered  }
0x9b: {  	s22 =	simm.s32 $0x1BFF;
	s21 =	sshll.u32 s6, $0x1;
	s3 =	sadd.s32 s4, s19  }
0x9c: {  	s7 =	simm.s32 $0x0;
	s20 =	sshll.u32 s5, $0x1;
	s5 =	sadd.s32 s21, s3  }
0x9d: {  	[timem:s7], [sflag:s22] =	dma.local [hbm:s5], s20  }
0x9e: {  	_ =	swait.ge [sflag:s22], s20  }
0x9f: {  	s4 =	ssub.s32 $0x0, s20;
	[sflag:s22] =	ssyncset.done $0x0  }
0xa0: {  	[sflag:s22] =	ssyncadd.s32 s4;
	_ =	sdelay $0x1  }
0xa1: {  	s23 =	simm.s32 $0x1B8B  }
0xa2: {  	_ =	swait.ge [sflag:s23], $0x1  }
0xa3: {  	[sflag:s23] =	ssyncset.done $0x0  }
0xa4: {  	s25 =	simm.s32 $0x1B8E;
	s24 =	sld [smem:$0x3FFE];
	[sflag:s23] =	ssyncadd.s32 $0xFFFFFFFF  }
0xa5: {  	s26 =	simm.s32 $execute0_lowered;
	[smem:$0x3FD2] =	sst s25  }
0xa6: {  	s5 =	sshll.u32 s26, $0x1;
	_ =	strace $0x80000046;
	[dreg:$0x1] =	wrdreg $0xFFFFFFFF  }
0xa7: {  	s28 =	simm.s32 $_size_execute0_lowered;
	s3 =	sadd.s32 s3, s5;
	[dreg:$0x0] =	wrdreg $0x0  }
0xa8: {  	s5 =	sshll.u32 s28, $0x1;
	[dreg:$0x2] =	wrdreg s3  }
0xa9: {  	[dreg:$0x3] =	wrdreg s5  }
0xaa: {  	[dreg:$0x4] =	wrdreg $0xC0  }
0xab: {  	_ =	task [dreg:s7], $0x5FFFF  }
0xac: {  	[dreg:$0x1] =	wrdreg $0xFFFFFFFF  }
0xad: {  	[dreg:$0x0] =	wrdreg $0x60  }
0xae: {  	[dreg:$0x2] =	wrdreg s2  }
0xaf: {  	[dreg:$0x3] =	wrdreg s24  }
0xb0: {  	[dreg:$0x4] =	wrdreg $0x80800  }
0xb1: {  	[dreg:$0x5] =	wrdreg $0x9  }
0xb2: {  	_ =	task.clear_ibuf [dreg:s7], $0x6FFFF;
	_ =	strace $0x90000046  }
0xb3: {  	s29 =	simm.s32 $0x9;
	_ =	strace $0x80000048  }
0xb4: {  	_ =	swait.ge [sflag:s29], $0x1  }
0xb5: {  	[sflag:s29] =	ssyncadd.s32 $0xFFFFFFFF  }
0xb6: {  	_ =	strace $0x90000048  }
0xb7: {  	_ =	sfence  }
0xb8: {  	s30 =	sld [smem:$0x0];
	_ =	sdelay $0x2  }
0xb9: {  	s31 =	sshll.u32 s1, $0xD;
	s1 =	sshrl.u32 s1, $0x2  }
0xba: {  	s3 =	sand.u32 $0x4000, s31;
	s1 =	sadd.s32 s1, s30  }
0xbb: {  	s0 =	sor.u32 s3, s0;
	s1 =	sshll.u32 s1, $0x11  }
0xbc: {  	s0 =	sor.u32 s1, s0  }
0xbd: {  	s0 =	sadd.s32 $0x8F2B, s0  }
0xbe: {  	[sflag:s0] =	ssyncadd.remote.s32 $0x1  }
0xbf: {  	_ =	sfence.sel $0xFFFF  }
0xc0: {  	[dreg:$0x0] =	wrdreg $0xFFFFFFFF;
	(pc) =	sbr.abs _section_cstart, $3  }
0xc1: {  	[dreg:$0x1] =	wrdreg $0xFFFFFFFF  }
0xc2: {  	_ =	task.clear_ibuf [dreg:s7], $0x2FFFF;
	_ =	strace $0x9FFFFFFF  }
0xc3: {  	(tm) =	ssettm $0x7FFFFFFF  }
tec
execute0_lowered:
.L_overlay_start_1:
0x0: {  	(tag) =	ssettag $0x1  }
0x1: {  	s10 =	rddreg [dreg:$0x0]  }
0x2: {  	s4 =	rddreg [dreg:$0x1];
	s2 =	srdreg.scid  }
0x3: {  	s1 =	rddreg [dreg:$0x2];
	s8 =	sand.u32 $0x1, s2  }
0x4: {  	s2 =	stileid.u32;
	s5 =	smul.u32 $0x28000, s8  }
0x5: {  	s0 =	rddreg [dreg:$0x3];
	s3 =	simm.s32 $0x0;
	s6 =	smul.u32 $0x50000, s2  }
0x6: {  	s13 =	simm.s32 $0x80;
	[smem:$0x7FF] =	sst s3;
	s14 =	smul.u32 $0x2800, s2  }
0x7: {  	s17 =	simm.s32 $0x0;
	_ =	strace $0x80000047;
	s11 =	smul.u32 $0xA00, s2  }
0x8: {  	s7 =	ssub.s32 $0x2, s8;
	s12 =	smul.u32 $0x500, s8;
	s31 =	sshll.u32 s2, $0x6  }
0x9: {  	s30 =	sshrl.u32 s7, $0x1;
	s5 =	sadd.s32 s5, s4;
	s6 =	sshrl.u32 s6, $0x2  }
0xa: {  	s7 =	ssub.s32 s7, s30;
	s10 =	sadd.s32 s11, s10;
	s11 =	simm.s32 $0x4080  }
0xb: {  	s4 =	sadd.s32 s6, s1;
	s15 =	sadd.s32 $0x400, s5;
	s5 =	smax.u32 s7, $0x1  }
0xc: {  	s10 =	sadd.s32 s12, s10;
	s12 =	simm.s32 $0x1;
	s6 =	sadd.s32 $0x4000, s4  }
0xd: {  	s7 =	sadd.s32 $0x8000, s4;
	s8 =	sadd.s32 $0xC000, s4;
	s9 =	sadd.s32 $0x10000, s4  }
0xe: {  	v0 =	vimm.f32 $1.000000000e+00;
	v1 =	vimm.f32 $0.0e+00;
	s14 =	sadd.s32 s14, s15;
	s15 =	sor.u32 $0x1C01, s31;
	s16 =	sshrl.u32 s4, $0x3  }
.LBB2_1:
0xf: {  	s18 =	simm.s32 $0x200;
	s19 =	simm.s32 $0x0  }
.LBB2_2:
0x10: {  	p0 =	sne.s32 s18, $0xFE00;
	[tilespmem:s19+$0x80] =	vst v0;
	s20 =	smov.u32 s18;
	s18 =	sadd.s32 $0x200, s18  }
.Ltmp0:
0x11: {  	[tilespmem:s19+$0x4080] =	vst v1;
	(pc) =	sbr.rel @p0 .LBB2_2-.Ltmp0, $2  }
0x12: {  	_ =	sdelay $0x2  }
0x13: {  	s19 =	sshra.s32 s20, $0x2  }
0x14: {  	[tilespmem:s19+$0x80] =	vst v0  }
0x15: {  	[tilespmem:s19+$0x4080] =	vst v1  }
0x16: {  	[spmem:s4] =	stream.linear.scatter [tilespmem:s11], [sflag:$0x1], $0x4000, $0x38;
	[tilespmem:$0xA880] =	vst v63  }
0x17: {  	_ =	swait.ge [sflag:s12], $0x4000  }
0x18: {  	[sflag:s12] =	ssyncset.done $0x0  }
0x19: {  	[sflag:s12] =	ssyncadd.s32 $0xFFFFC000  }
0x1a: {  	[spmem:s6] =	stream.linear.scatter [tilespmem:s11], [sflag:$0x1], $0x4000, $0x38;
	[tilespmem:$0xA880] =	vst v63  }
0x1b: {  	_ =	swait.ge [sflag:s12], $0x4000  }
0x1c: {  	[sflag:s12] =	ssyncset.done $0x0  }
0x1d: {  	[sflag:s12] =	ssyncadd.s32 $0xFFFFC000  }
0x1e: {  	[spmem:s7] =	stream.linear.scatter [tilespmem:s11], [sflag:$0x1], $0x4000, $0x38;
	[tilespmem:$0xA880] =	vst v63  }
0x1f: {  	_ =	swait.ge [sflag:s12], $0x4000  }
0x20: {  	[sflag:s12] =	ssyncset.done $0x0  }
0x21: {  	[sflag:s12] =	ssyncadd.s32 $0xFFFFC000  }
0x22: {  	[spmem:s8] =	stream.linear.scatter [tilespmem:s11], [sflag:$0x1], $0x4000, $0x38;
	[tilespmem:$0xA880] =	vst v63  }
0x23: {  	_ =	swait.ge [sflag:s12], $0x4000  }
0x24: {  	[sflag:s12] =	ssyncset.done $0x0  }
0x25: {  	[sflag:s12] =	ssyncadd.s32 $0xFFFFC000  }
0x26: {  	[spmem:s9] =	stream.linear.scatter [tilespmem:s11], [sflag:$0x1], $0x4000, $0x38;
	[tilespmem:$0xA880] =	vst v63  }
0x27: {  	_ =	swait.ge [sflag:s12], $0x4000  }
0x28: {  	[sflag:s12] =	ssyncset.done $0x0  }
0x29: {  	[sflag:s12] =	ssyncadd.s32 $0xFFFFC000  }
0x2a: {  	s18 =	sadd.s32 $0x0, s10;
	[bflag:$0x0] =	sbarrier.arrive $0xFFFF  }
0x2b: {  	[tilespmem:s3], [sflag:$0x1] =	stream.linear.gather [hbm4b:s18+s3], $0x80, $0x38;
	[tilespmem:$0xA880] =	vst v63  }
0x2c: {  	_ =	swait.ge [sflag:s12], $0x80  }
0x2d: {  	[sflag:s12] =	ssyncset.done $0x0  }
0x2e: {  	[sflag:s12] =	ssyncadd.s32 $0xFFFFFF80  }
0x2f: {  	[spmem:s1] =	stream.indirect.scatter.add.f32 [tilespmem:s13], [sflag:$0x1], $0x10, s3, s13, $0xb8;
	[tilespmem:$0xA880] =	vst v63  }
0x30: {  	_ =	swait.ge [sflag:s12], $0x800  }
0x31: {  	s19 =	simm.s32 $0x20;
	s18 =	simm.s32 $0x10;
	[sflag:s12] =	ssyncset.done $0x0  }
.LBB2_4:
0x32: {  	s20 =	sadd.s32 s18, s10  }
0x33: {  	[sflag:s12] =	ssyncadd.s32 $0xFFFFF800;
	s18 =	smov.u32 s19;
	s21 =	sadd.s32 $0x10, s19  }
0x34: {  	[tilespmem:s3], [sflag:$0x1] =	stream.linear.gather [hbm4b:s20+s3], $0x80, $0x38;
	[tilespmem:$0xA880] =	vst v63  }
0x35: {  	p0 =	sne.s32 s19, $0x4F0;
	_ =	swait.ge [sflag:s12], $0x80  }
.Ltmp1:
0x36: {  	[sflag:s12] =	ssyncset.done $0x0;
	(pc) =	sbr.rel @p0 .LBB2_4-.Ltmp1, $4  }
0x37: {  	[sflag:s12] =	ssyncadd.s32 $0xFFFFFF80  }
0x38: {  	[spmem:s1] =	stream.indirect.scatter.add.f32 [tilespmem:s13], [sflag:$0x1], $0x10, s3, s13, $0xb8;
	[tilespmem:$0xA880] =	vst v63  }
0x39: {  	_ =	swait.ge [sflag:s12], $0x800  }
0x3a: {  	s19 =	smov.u32 s21;
	[sflag:s12] =	ssyncset.done $0x0  }
0x3b: {  	s18 =	sadd.s32 s18, s10;
	[sflag:s12] =	ssyncadd.s32 $0xFFFFF800  }
0x3c: {  	[tilespmem:s3], [sflag:$0x1] =	stream.linear.gather [hbm4b:s18+s3], $0x80, $0x38;
	[tilespmem:$0xA880] =	vst v63  }
0x3d: {  	_ =	swait.ge [sflag:s12], $0x80  }
0x3e: {  	[sflag:s12] =	ssyncset.done $0x0  }
0x3f: {  	[sflag:s12] =	ssyncadd.s32 $0xFFFFFF80  }
0x40: {  	[spmem:s1] =	stream.indirect.scatter.add.f32 [tilespmem:s13], [sflag:$0x1], $0x10, s3, s13, $0xb8;
	[tilespmem:$0xA880] =	vst v63  }
0x41: {  	_ =	swait.ge [sflag:s12], $0x800  }
0x42: {  	s17 =	sadd.s32 $0x1, s17;
	[sflag:s12] =	ssyncset.done $0x0  }
0x43: {  	p0 =	sne.s32 s17, s5;
	[sflag:s12] =	ssyncadd.s32 $0xFFFFF800  }
.Ltmp2:
0x44: {  	[bflag:$0x0] =	sbarrier.arrive $0xFFFF;
	(pc) =	sbr.rel @p0 .LBB2_1-.Ltmp2, $4  }
0x45: {  	[hbm:s14], [sflag:s15] =	dma.local [spmem:s16], $0x2800  }
0x46: {  	_ =	swait.ge [sflag:s12], $0x2800  }
0x47: {  	[sflag:s12] =	ssyncset.done $0x0  }
0x48: {  	[sflag:s12] =	ssyncadd.s32 $0xFFFFD800  }
0x49: {  	_ =	sfence.sel $0x180000  }
0x4a: {  	[bflag:$0x0] =	sbarrier.arrive $0xFFFF  }
0x4b: {  	p0 =	sne.s32 s2, $0x0;
	_ =	strace $0x90000047  }
0x4c: {  	s0 =	sadd.s32 @!p0 $0x100000, s0;
	[bflag:$0x2] =	sbarrier.arrive $0xFFFF  }
0x4d: {  	[sflag:s0] =	ssyncadd.tile.s32 @!p0 $0x1;
	_ =	shalt  }
.Lfunc_end2:
_tile_overlayer_lowered:
.L_overlay_start_2:
0x4e: {  	(tag) =	ssettag $0x2  }
0x4f: {  	s0 =	rddreg [dreg:$0x0];
	s2 =	stileid.u32  }
0x50: {  	s1 =	rddreg [dreg:$0x1];
	p0 =	sne.s32 s2, $0x0  }
0x51: {  	s3 =	rddreg [dreg:$0x2];
	[bflag:$0x3] =	sbarrier.arrive $0xFFFF;
	s2 =	simm.s32 @!p0 $0x1C01  }
0x52: {  	[timem:s3], [sflag:s2] =	dma.local @!p0 [hbm:s0], s1  }
0x53: {  	s0 =	simm.s32 @!p0 $0x1  }
0x54: {  	_ =	swait.ge @!p0 [sflag:s0], s1  }
0x55: {  	s1 =	ssub.s32 @!p0 $0x0, s1;
	[sflag:s0] =	ssyncset.done @!p0 $0x0  }
0x56: {  	[sflag:s0] =	ssyncadd.s32 @!p0 s1  }
0x57: {  	[bflag:$0x3] =	sbarrier.arrive $0xFFFF  }
0x58: {  	_ =	shalt  }

</sc_bundles>
